<compile_context>
chip_gen: v7x
topology: tpu7x:2x2x1
jax: 0.10.2.dev20260603
libtpu: 0.0.44.dev20260713+nightly
codegen_flags: <defaults>
</compile_context>

<pallas_src>
import jax
import jax.numpy as jnp
from jax import lax
from jax.experimental import pallas as pl
from jax.experimental.pallas import tpu as pltpu
from jax.experimental.pallas import tpu_sc as plsc

NC = 2
NS = 16
L = 16
BATCH = 16384
BPW = BATCH // (NC * NS)
D_CONST = 1.702


def _irt_body(user_hbm, item_hbm, theta_hbm, a_hbm, b_hbm, c_hbm, out_hbm,
              uidx_v, iidx_v, th_v, a_v, b_v, c_v, out_v, sem):
  wid = lax.axis_index("s") * NC + lax.axis_index("c")
  base = wid * BPW

  pltpu.sync_copy(user_hbm.at[pl.ds(base, BPW)], uidx_v)
  pltpu.sync_copy(item_hbm.at[pl.ds(base, BPW)], iidx_v)

  c1 = pltpu.async_copy(theta_hbm.at[uidx_v], th_v, sem)
  c2 = pltpu.async_copy(a_hbm.at[iidx_v], a_v, sem)
  c3 = pltpu.async_copy(b_hbm.at[iidx_v], b_v, sem)
  c4 = pltpu.async_copy(c_hbm.at[iidx_v], c_v, sem)
  c1.wait()
  c2.wait()
  c3.wait()
  c4.wait()

  def step(i, _):
    sl = pl.ds(i * L, L)
    th = th_v[sl]
    a = a_v[sl]
    b = b_v[sl]
    c = c_v[sl]
    a_s = 1.0 / (1.0 + jnp.exp(-a))
    c_s = 1.0 / (1.0 + jnp.exp(-c))
    z = 1.0 / (1.0 + jnp.exp(-D_CONST * a_s * (th - b)))
    out_v[sl] = c_s + (1.0 - c_s) * z
    return 0

  lax.fori_loop(0, BPW // L, step, 0, unroll=4)

  pltpu.sync_copy(out_v, out_hbm.at[pl.ds(base, BPW)])


@jax.jit
def _irt_sc(user, item, theta_w, a_w, b_w, c_w):
  w1 = jnp.squeeze(jnp.stack([theta_w, a_w], axis=0), -1)
  w2 = jnp.squeeze(jnp.stack([b_w, c_w], axis=0), -1)
  w1, w2 = lax.optimization_barrier((w1, w2))
  mesh = plsc.VectorSubcoreMesh(
      core_axis_name="c", subcore_axis_name="s",
      num_cores=NC, num_subcores=NS)
  fn = pl.kernel(
      _irt_body,
      out_type=jax.ShapeDtypeStruct((BATCH,), jnp.float32),
      mesh=mesh,
      scratch_types=[
          pltpu.VMEM((BPW,), jnp.int32),
          pltpu.VMEM((BPW,), jnp.int32),
          pltpu.VMEM((BPW,), jnp.float32),
          pltpu.VMEM((BPW,), jnp.float32),
          pltpu.VMEM((BPW,), jnp.float32),
          pltpu.VMEM((BPW,), jnp.float32),
          pltpu.VMEM((BPW,), jnp.float32),
          pltpu.SemaphoreType.DMA,
      ],
  )
  return fn(user, item, w1[0], w1[1], w2[0], w2[1])


def kernel(user, item, theta_w, a_w, b_w, c_w):
  return _irt_sc(user, item, theta_w, a_w, b_w, c_w)

# --- scband reference (transcript-rebuilt; emitter-appended) ---
"""Pipeline reference for scband-irtnet-69793218560001 (READ-ONLY COPY).

The authoritative reference and input builder live on the scoring server;
editing this copy changes nothing except your own understanding.
"""

import jax, jax.numpy as jnp
import numpy as np

USER_NUM = 1000000
ITEM_NUM = 1000000
BATCH = 16384
D = 1.702

def setup_inputs(seed: int = 0) -> dict:
    key = jax.random.key(seed)
    k1, k2, k3, k4, k5, k6 = jax.random.split(key, 6)
    user = jax.random.randint(k1, (BATCH,), 0, USER_NUM, dtype=jnp.int64) if jax.config.jax_enable_x64 else jax.random.randint(k1, (BATCH,), 0, USER_NUM, dtype=jnp.int32)
    item = jax.random.randint(k2, (BATCH,), 0, ITEM_NUM, dtype=jnp.int64) if jax.config.jax_enable_x64 else jax.random.randint(k2, (BATCH,), 0, ITEM_NUM, dtype=jnp.int32)
    theta_w = jax.random.normal(k3, (USER_NUM, 1), dtype=jnp.float32)
    a_w = jax.random.normal(k4, (ITEM_NUM, 1), dtype=jnp.float32)
    b_w = jax.random.normal(k5, (ITEM_NUM, 1), dtype=jnp.float32)
    c_w = jax.random.normal(k6, (ITEM_NUM, 1), dtype=jnp.float32)
    return {"user": user, "item": item, "theta_w": theta_w, "a_w": a_w, "b_w": b_w, "c_w": c_w}

def irt3pl(theta, a, b, c, D=1.702):
    return c + (1.0 - c) / (1.0 + jnp.exp(-D * a * (theta - b)))

def reference(user, item, theta_w, a_w, b_w, c_w):
    # Embedding lookups (gather) - SparseCore-friendly
    theta = jnp.squeeze(jnp.take(theta_w, user, axis=0), axis=-1)
    a = jnp.squeeze(jnp.take(a_w, item, axis=0), axis=-1)
    b = jnp.squeeze(jnp.take(b_w, item, axis=0), axis=-1)
    c = jnp.squeeze(jnp.take(c_w, item, axis=0), axis=-1)
    c = jax.nn.sigmoid(c)
    # value_range is None -> skip; a_range = 1 -> a = 1 * sigmoid(a)
    a = 1.0 * jax.nn.sigmoid(a)
    return irt3pl(theta, a, b, c, D=D)

if __name__ == "__main__":
    import jax
    _d = setup_inputs()
    print(jax.jit(kernel)(*tuple(_d.values())))

</pallas_src>

<mosaic_0001>
#map = affine_map<(d0, d1) -> (0)>
module attributes {stable_mosaic.version = 14 : i64} {
  func.func @_irt_body(%arg0: i32, %arg1: i32, %arg2: memref<16384xi32, #tpu.memory_space<hbm>>, %arg3: memref<16384xi32, #tpu.memory_space<hbm>>, %arg4: memref<1000000xf32, #tpu.memory_space<hbm>>, %arg5: memref<1000000xf32, #tpu.memory_space<hbm>>, %arg6: memref<1000000xf32, #tpu.memory_space<hbm>>, %arg7: memref<1000000xf32, #tpu.memory_space<hbm>>, %arg8: memref<16384xf32, #tpu.memory_space<hbm>>, %arg9: memref<512xi32, #tpu.memory_space<vmem>>, %arg10: memref<512xi32, #tpu.memory_space<vmem>>, %arg11: memref<512xf32, #tpu.memory_space<vmem>>, %arg12: memref<512xf32, #tpu.memory_space<vmem>>, %arg13: memref<512xf32, #tpu.memory_space<vmem>>, %arg14: memref<512xf32, #tpu.memory_space<vmem>>, %arg15: memref<512xf32, #tpu.memory_space<vmem>>, %arg16: memref<!tpu.dma_semaphore, #tpu.memory_space<semaphore_mem>>) attributes {dimension_semantics = [#tpu.dimension_semantics<core_parallel>, #tpu.dimension_semantics<subcore_parallel>], iteration_bounds = array<i64: 2, 16>, scalar_prefetch = 0 : i64, scratch_operands = 8 : i64, tpu.core_type = #tpu.core_type<sc_vector_subcore>, window_params = [{transform_indices = #map}, {transform_indices = #map}, {transform_indices = #map}, {transform_indices = #map}, {transform_indices = #map}, {transform_indices = #map}, {transform_indices = #map}]} {
    %mul3A = arith.constant 2 : i32
    %mul3A_0 = arith.muli %arg1, %mul3A : i32
    %add3A = arith.addi %mul3A_0, %arg0 : i32
    %mul3A_1 = arith.constant 512 : i32
    %mul3A_2 = arith.muli %add3A, %mul3A_1 : i32
    "tpu.region"() ({
      %run_scoped3A = tpu.sem_alloc : memref<!tpu.dma_semaphore, #tpu.memory_space<semaphore_mem>>
      %dma_start3A_23 = tpu.memref_slice %arg2[%mul3A_2] : memref<16384xi32, #tpu.memory_space<hbm>> -> memref<512xi32, #tpu.memory_space<hbm>>
      %dma_start3A_24 = tpu.memref_slice %arg2[%mul3A_2] : memref<16384xi32, #tpu.memory_space<hbm>> -> memref<512xi32, #tpu.memory_space<hbm>>
      tpu.enqueue_dma source(%dma_start3A_24 : memref<512xi32, #tpu.memory_space<hbm>>) target(%arg9 : memref<512xi32, #tpu.memory_space<vmem>>) target_semaphore(%run_scoped3A : memref<!tpu.dma_semaphore, #tpu.memory_space<semaphore_mem>>)
      %dma_wait3A_25 = tpu.memref_slice %arg2[%mul3A_2] : memref<16384xi32, #tpu.memory_space<hbm>> -> memref<512xi32, #tpu.memory_space<hbm>>
      %dma_wait3A_26 = tpu.memref_slice %arg2[%mul3A_2] : memref<16384xi32, #tpu.memory_space<hbm>> -> memref<512xi32, #tpu.memory_space<hbm>>
      tpu.wait_dma2 semaphore(%run_scoped3A : memref<!tpu.dma_semaphore, #tpu.memory_space<semaphore_mem>>) src(%dma_wait3A_26 : memref<512xi32, #tpu.memory_space<hbm>>) dst(%arg9 : memref<512xi32, #tpu.memory_space<vmem>>)
      tpu.yield
    }) : () -> ()
    "tpu.region"() ({
      %run_scoped3A = tpu.sem_alloc : memref<!tpu.dma_semaphore, #tpu.memory_space<semaphore_mem>>
      %dma_start3A_23 = tpu.memref_slice %arg3[%mul3A_2] : memref<16384xi32, #tpu.memory_space<hbm>> -> memref<512xi32, #tpu.memory_space<hbm>>
      %dma_start3A_24 = tpu.memref_slice %arg3[%mul3A_2] : memref<16384xi32, #tpu.memory_space<hbm>> -> memref<512xi32, #tpu.memory_space<hbm>>
      tpu.enqueue_dma source(%dma_start3A_24 : memref<512xi32, #tpu.memory_space<hbm>>) target(%arg10 : memref<512xi32, #tpu.memory_space<vmem>>) target_semaphore(%run_scoped3A : memref<!tpu.dma_semaphore, #tpu.memory_space<semaphore_mem>>)
      %dma_wait3A_25 = tpu.memref_slice %arg3[%mul3A_2] : memref<16384xi32, #tpu.memory_space<hbm>> -> memref<512xi32, #tpu.memory_space<hbm>>
      %dma_wait3A_26 = tpu.memref_slice %arg3[%mul3A_2] : memref<16384xi32, #tpu.memory_space<hbm>> -> memref<512xi32, #tpu.memory_space<hbm>>
      tpu.wait_dma2 semaphore(%run_scoped3A : memref<!tpu.dma_semaphore, #tpu.memory_space<semaphore_mem>>) src(%dma_wait3A_26 : memref<512xi32, #tpu.memory_space<hbm>>) dst(%arg10 : memref<512xi32, #tpu.memory_space<vmem>>)
      tpu.yield
    }) : () -> ()
    %dma_start3A = arith.constant 0 : i32
    %dma_start3A_3 = tpu.memref_slice %arg4[%dma_start3A] : memref<1000000xf32, #tpu.memory_space<hbm>> -> memref<1000000xf32, #tpu.memory_space<hbm>>
    tpu.enqueue_indirect_dma source(%dma_start3A_3 : memref<1000000xf32, #tpu.memory_space<hbm>>) target(%arg11 : memref<512xf32, #tpu.memory_space<vmem>>) offsets(%arg9 : memref<512xi32, #tpu.memory_space<vmem>>) semaphore(%arg16 : memref<!tpu.dma_semaphore, #tpu.memory_space<semaphore_mem>>)
    %dma_start3A_4 = arith.constant 0 : i32
    %dma_start3A_5 = tpu.memref_slice %arg5[%dma_start3A_4] : memref<1000000xf32, #tpu.memory_space<hbm>> -> memref<1000000xf32, #tpu.memory_space<hbm>>
    tpu.enqueue_indirect_dma source(%dma_start3A_5 : memref<1000000xf32, #tpu.memory_space<hbm>>) target(%arg12 : memref<512xf32, #tpu.memory_space<vmem>>) offsets(%arg10 : memref<512xi32, #tpu.memory_space<vmem>>) semaphore(%arg16 : memref<!tpu.dma_semaphore, #tpu.memory_space<semaphore_mem>>)
    %dma_start3A_6 = arith.constant 0 : i32
    %dma_start3A_7 = tpu.memref_slice %arg6[%dma_start3A_6] : memref<1000000xf32, #tpu.memory_space<hbm>> -> memref<1000000xf32, #tpu.memory_space<hbm>>
    tpu.enqueue_indirect_dma source(%dma_start3A_7 : memref<1000000xf32, #tpu.memory_space<hbm>>) target(%arg13 : memref<512xf32, #tpu.memory_space<vmem>>) offsets(%arg10 : memref<512xi32, #tpu.memory_space<vmem>>) semaphore(%arg16 : memref<!tpu.dma_semaphore, #tpu.memory_space<semaphore_mem>>)
    %dma_start3A_8 = arith.constant 0 : i32
    %dma_start3A_9 = tpu.memref_slice %arg7[%dma_start3A_8] : memref<1000000xf32, #tpu.memory_space<hbm>> -> memref<1000000xf32, #tpu.memory_space<hbm>>
    tpu.enqueue_indirect_dma source(%dma_start3A_9 : memref<1000000xf32, #tpu.memory_space<hbm>>) target(%arg14 : memref<512xf32, #tpu.memory_space<vmem>>) offsets(%arg10 : memref<512xi32, #tpu.memory_space<vmem>>) semaphore(%arg16 : memref<!tpu.dma_semaphore, #tpu.memory_space<semaphore_mem>>)
    %dma_wait3A = arith.constant 0 : i32
    %dma_wait3A_10 = tpu.memref_slice %arg4[%dma_wait3A] : memref<1000000xf32, #tpu.memory_space<hbm>> -> memref<1000000xf32, #tpu.memory_space<hbm>>
    tpu.wait_indirect_dma semaphore(%arg16 : memref<!tpu.dma_semaphore, #tpu.memory_space<semaphore_mem>>) src(%dma_wait3A_10 : memref<1000000xf32, #tpu.memory_space<hbm>>) dst(%arg11 : memref<512xf32, #tpu.memory_space<vmem>>)
    %dma_wait3A_11 = arith.constant 0 : i32
    %dma_wait3A_12 = tpu.memref_slice %arg5[%dma_wait3A_11] : memref<1000000xf32, #tpu.memory_space<hbm>> -> memref<1000000xf32, #tpu.memory_space<hbm>>
    tpu.wait_indirect_dma semaphore(%arg16 : memref<!tpu.dma_semaphore, #tpu.memory_space<semaphore_mem>>) src(%dma_wait3A_12 : memref<1000000xf32, #tpu.memory_space<hbm>>) dst(%arg12 : memref<512xf32, #tpu.memory_space<vmem>>)
    %dma_wait3A_13 = arith.constant 0 : i32
    %dma_wait3A_14 = tpu.memref_slice %arg6[%dma_wait3A_13] : memref<1000000xf32, #tpu.memory_space<hbm>> -> memref<1000000xf32, #tpu.memory_space<hbm>>
    tpu.wait_indirect_dma semaphore(%arg16 : memref<!tpu.dma_semaphore, #tpu.memory_space<semaphore_mem>>) src(%dma_wait3A_14 : memref<1000000xf32, #tpu.memory_space<hbm>>) dst(%arg13 : memref<512xf32, #tpu.memory_space<vmem>>)
    %dma_wait3A_15 = arith.constant 0 : i32
    %dma_wait3A_16 = tpu.memref_slice %arg7[%dma_wait3A_15] : memref<1000000xf32, #tpu.memory_space<hbm>> -> memref<1000000xf32, #tpu.memory_space<hbm>>
    tpu.wait_indirect_dma semaphore(%arg16 : memref<!tpu.dma_semaphore, #tpu.memory_space<semaphore_mem>>) src(%dma_wait3A_16 : memref<1000000xf32, #tpu.memory_space<hbm>>) dst(%arg14 : memref<512xf32, #tpu.memory_space<vmem>>)
    %scan3A = arith.constant 0 : i32
    %scan3A_17 = arith.constant 0 : i32
    %scan3A_18 = arith.constant 32 : i32
    %scan3A_19 = arith.addi %scan3A_17, %scan3A_18 : i32
    %scan3A_20 = arith.constant 4 : i32
    %scan3A_21 = scf.for %scan3A_23 = %scan3A_17 to %scan3A_19 step %scan3A_20 iter_args(%scan3A_24 = %scan3A) -> (i32)  : i32 {
      %mul3A_25 = arith.constant 16 : i32
      %mul3A_26 = arith.muli %scan3A_23, %mul3A_25 : i32
      %get3A = arith.index_cast %mul3A_26 : i32 to index
      %get3A_27 = tpu.vector_load %arg11[%get3A] {strides = array<i32>} : memref<512xf32, #tpu.memory_space<vmem>>, vector<16xf32>,
      %get3A_28 = vector.shape_cast %get3A_27 : vector<16xf32> to vector<16xf32>
      %get3A_29 = arith.index_cast %mul3A_26 : i32 to index
      %get3A_30 = tpu.vector_load %arg12[%get3A_29] {strides = array<i32>} : memref<512xf32, #tpu.memory_space<vmem>>, vector<16xf32>,
      %get3A_31 = vector.shape_cast %get3A_30 : vector<16xf32> to vector<16xf32>
      %get3A_32 = arith.index_cast %mul3A_26 : i32 to index
      %get3A_33 = tpu.vector_load %arg13[%get3A_32] {strides = array<i32>} : memref<512xf32, #tpu.memory_space<vmem>>, vector<16xf32>,
      %get3A_34 = vector.shape_cast %get3A_33 : vector<16xf32> to vector<16xf32>
      %get3A_35 = arith.index_cast %mul3A_26 : i32 to index
      %get3A_36 = tpu.vector_load %arg14[%get3A_35] {strides = array<i32>} : memref<512xf32, #tpu.memory_space<vmem>>, vector<16xf32>,
      %get3A_37 = vector.shape_cast %get3A_36 : vector<16xf32> to vector<16xf32>
      %neg3A = arith.constant 0.000000e+00 : f32
      %neg3A_38 = vector.broadcast %neg3A : f32 to vector<16xf32>
      %neg3A_39 = arith.subf %neg3A_38, %get3A_31 : vector<16xf32>
      %exp3A = math.exp %neg3A_39 : vector<16xf32>
      %add3A_40 = arith.constant 1.000000e+00 : f32
      %add3A_41 = vector.broadcast %add3A_40 : f32 to vector<16xf32>
      %add3A_42 = arith.addf %add3A_41, %exp3A : vector<16xf32>
      %div3A = arith.constant 1.000000e+00 : f32
      %div3A_43 = vector.broadcast %div3A : f32 to vector<16xf32>
      %div3A_44 = arith.divf %div3A_43, %add3A_42 : vector<16xf32>
      %neg3A_45 = arith.constant 0.000000e+00 : f32
      %neg3A_46 = vector.broadcast %neg3A_45 : f32 to vector<16xf32>
      %neg3A_47 = arith.subf %neg3A_46, %get3A_37 : vector<16xf32>
      %exp3A_48 = math.exp %neg3A_47 : vector<16xf32>
      %add3A_49 = arith.constant 1.000000e+00 : f32
      %add3A_50 = vector.broadcast %add3A_49 : f32 to vector<16xf32>
      %add3A_51 = arith.addf %add3A_50, %exp3A_48 : vector<16xf32>
      %div3A_52 = arith.constant 1.000000e+00 : f32
      %div3A_53 = vector.broadcast %div3A_52 : f32 to vector<16xf32>
      %div3A_54 = arith.divf %div3A_53, %add3A_51 : vector<16xf32>
      %mul3A_55 = arith.constant -1.702000e+00 : f32
      %mul3A_56 = vector.broadcast %mul3A_55 : f32 to vector<16xf32>
      %mul3A_57 = arith.mulf %mul3A_56, %div3A_44 : vector<16xf32>
      %sub3A = arith.subf %get3A_28, %get3A_34 : vector<16xf32>
      %mul3A_58 = arith.mulf %mul3A_57, %sub3A : vector<16xf32>
      %exp3A_59 = math.exp %mul3A_58 : vector<16xf32>
      %add3A_60 = arith.constant 1.000000e+00 : f32
      %add3A_61 = vector.broadcast %add3A_60 : f32 to vector<16xf32>
      %add3A_62 = arith.addf %add3A_61, %exp3A_59 : vector<16xf32>
      %div3A_63 = arith.constant 1.000000e+00 : f32
      %div3A_64 = vector.broadcast %div3A_63 : f32 to vector<16xf32>
      %div3A_65 = arith.divf %div3A_64, %add3A_62 : vector<16xf32>
      %sub3A_66 = arith.constant 1.000000e+00 : f32
      %sub3A_67 = vector.broadcast %sub3A_66 : f32 to vector<16xf32>
      %sub3A_68 = arith.subf %sub3A_67, %div3A_54 : vector<16xf32>
      %mul3A_69 = arith.mulf %sub3A_68, %div3A_65 : vector<16xf32>
      %add3A_70 = arith.addf %div3A_54, %mul3A_69 : vector<16xf32>
      %swap3A = arith.index_cast %mul3A_26 : i32 to index
      %swap3A_71 = tpu.vector_load %arg15[%swap3A] {strides = array<i32>} : memref<512xf32, #tpu.memory_space<vmem>>, vector<16xf32>,
      %swap3A_72 = vector.shape_cast %swap3A_71 : vector<16xf32> to vector<16xf32>
      %swap3A_73 = vector.shape_cast %add3A_70 : vector<16xf32> to vector<16xf32>
      tpu.vector_store %arg15[%swap3A], %swap3A_73 {strides = array<i32>} : memref<512xf32, #tpu.memory_space<vmem>>, vector<16xf32>,
      %scan3A_74 = arith.constant 0 : i32
      %scan3A_75 = arith.constant 1 : i32
      %scan3A_76 = arith.addi %scan3A_23, %scan3A_75 : i32
      %mul3A_77 = arith.constant 16 : i32
      %mul3A_78 = arith.muli %scan3A_76, %mul3A_77 : i32
      %get3A_79 = arith.index_cast %mul3A_78 : i32 to index
      %get3A_80 = tpu.vector_load %arg11[%get3A_79] {strides = array<i32>} : memref<512xf32, #tpu.memory_space<vmem>>, vector<16xf32>,
      %get3A_81 = vector.shape_cast %get3A_80 : vector<16xf32> to vector<16xf32>
      %get3A_82 = arith.index_cast %mul3A_78 : i32 to index
      %get3A_83 = tpu.vector_load %arg12[%get3A_82] {strides = array<i32>} : memref<512xf32, #tpu.memory_space<vmem>>, vector<16xf32>,
      %get3A_84 = vector.shape_cast %get3A_83 : vector<16xf32> to vector<16xf32>
      %get3A_85 = arith.index_cast %mul3A_78 : i32 to index
      %get3A_86 = tpu.vector_load %arg13[%get3A_85] {strides = array<i32>} : memref<512xf32, #tpu.memory_space<vmem>>, vector<16xf32>,
      %get3A_87 = vector.shape_cast %get3A_86 : vector<16xf32> to vector<16xf32>
      %get3A_88 = arith.index_cast %mul3A_78 : i32 to index
      %get3A_89 = tpu.vector_load %arg14[%get3A_88] {strides = array<i32>} : memref<512xf32, #tpu.memory_space<vmem>>, vector<16xf32>,
      %get3A_90 = vector.shape_cast %get3A_89 : vector<16xf32> to vector<16xf32>
      %neg3A_91 = arith.constant 0.000000e+00 : f32
      %neg3A_92 = vector.broadcast %neg3A_91 : f32 to vector<16xf32>
      %neg3A_93 = arith.subf %neg3A_92, %get3A_84 : vector<16xf32>
      %exp3A_94 = math.exp %neg3A_93 : vector<16xf32>
      %add3A_95 = arith.constant 1.000000e+00 : f32
      %add3A_96 = vector.broadcast %add3A_95 : f32 to vector<16xf32>
      %add3A_97 = arith.addf %add3A_96, %exp3A_94 : vector<16xf32>
      %div3A_98 = arith.constant 1.000000e+00 : f32
      %div3A_99 = vector.broadcast %div3A_98 : f32 to vector<16xf32>
      %div3A_100 = arith.divf %div3A_99, %add3A_97 : vector<16xf32>
      %neg3A_101 = arith.constant 0.000000e+00 : f32
      %neg3A_102 = vector.broadcast %neg3A_101 : f32 to vector<16xf32>
      %neg3A_103 = arith.subf %neg3A_102, %get3A_90 : vector<16xf32>
      %exp3A_104 = math.exp %neg3A_103 : vector<16xf32>
      %add3A_105 = arith.constant 1.000000e+00 : f32
      %add3A_106 = vector.broadcast %add3A_105 : f32 to vector<16xf32>
      %add3A_107 = arith.addf %add3A_106, %exp3A_104 : vector<16xf32>
      %div3A_108 = arith.constant 1.000000e+00 : f32
      %div3A_109 = vector.broadcast %div3A_108 : f32 to vector<16xf32>
      %div3A_110 = arith.divf %div3A_109, %add3A_107 : vector<16xf32>
      %mul3A_111 = arith.constant -1.702000e+00 : f32
      %mul3A_112 = vector.broadcast %mul3A_111 : f32 to vector<16xf32>
      %mul3A_113 = arith.mulf %mul3A_112, %div3A_100 : vector<16xf32>
      %sub3A_114 = arith.subf %get3A_81, %get3A_87 : vector<16xf32>
      %mul3A_115 = arith.mulf %mul3A_113, %sub3A_114 : vector<16xf32>
      %exp3A_116 = math.exp %mul3A_115 : vector<16xf32>
      %add3A_117 = arith.constant 1.000000e+00 : f32
      %add3A_118 = vector.broadcast %add3A_117 : f32 to vector<16xf32>
      %add3A_119 = arith.addf %add3A_118, %exp3A_116 : vector<16xf32>
      %div3A_120 = arith.constant 1.000000e+00 : f32
      %div3A_121 = vector.broadcast %div3A_120 : f32 to vector<16xf32>
      %div3A_122 = arith.divf %div3A_121, %add3A_119 : vector<16xf32>
      %sub3A_123 = arith.constant 1.000000e+00 : f32
      %sub3A_124 = vector.broadcast %sub3A_123 : f32 to vector<16xf32>
      %sub3A_125 = arith.subf %sub3A_124, %div3A_110 : vector<16xf32>
      %mul3A_126 = arith.mulf %sub3A_125, %div3A_122 : vector<16xf32>
      %add3A_127 = arith.addf %div3A_110, %mul3A_126 : vector<16xf32>
      %swap3A_128 = arith.index_cast %mul3A_78 : i32 to index
      %swap3A_129 = tpu.vector_load %arg15[%swap3A_128] {strides = array<i32>} : memref<512xf32, #tpu.memory_space<vmem>>, vector<16xf32>,
      %swap3A_130 = vector.shape_cast %swap3A_129 : vector<16xf32> to vector<16xf32>
      %swap3A_131 = vector.shape_cast %add3A_127 : vector<16xf32> to vector<16xf32>
      tpu.vector_store %arg15[%swap3A_128], %swap3A_131 {strides = array<i32>} : memref<512xf32, #tpu.memory_space<vmem>>, vector<16xf32>,
      %scan3A_132 = arith.constant 0 : i32
      %scan3A_133 = arith.constant 2 : i32
      %scan3A_134 = arith.addi %scan3A_23, %scan3A_133 : i32
      %mul3A_135 = arith.constant 16 : i32
      %mul3A_136 = arith.muli %scan3A_134, %mul3A_135 : i32
      %get3A_137 = arith.index_cast %mul3A_136 : i32 to index
      %get3A_138 = tpu.vector_load %arg11[%get3A_137] {strides = array<i32>} : memref<512xf32, #tpu.memory_space<vmem>>, vector<16xf32>,
      %get3A_139 = vector.shape_cast %get3A_138 : vector<16xf32> to vector<16xf32>
      %get3A_140 = arith.index_cast %mul3A_136 : i32 to index
      %get3A_141 = tpu.vector_load %arg12[%get3A_140] {strides = array<i32>} : memref<512xf32, #tpu.memory_space<vmem>>, vector<16xf32>,
      %get3A_142 = vector.shape_cast %get3A_141 : vector<16xf32> to vector<16xf32>
      %get3A_143 = arith.index_cast %mul3A_136 : i32 to index
      %get3A_144 = tpu.vector_load %arg13[%get3A_143] {strides = array<i32>} : memref<512xf32, #tpu.memory_space<vmem>>, vector<16xf32>,
      %get3A_145 = vector.shape_cast %get3A_144 : vector<16xf32> to vector<16xf32>
      %get3A_146 = arith.index_cast %mul3A_136 : i32 to index
      %get3A_147 = tpu.vector_load %arg14[%get3A_146] {strides = array<i32>} : memref<512xf32, #tpu.memory_space<vmem>>, vector<16xf32>,
      %get3A_148 = vector.shape_cast %get3A_147 : vector<16xf32> to vector<16xf32>
      %neg3A_149 = arith.constant 0.000000e+00 : f32
      %neg3A_150 = vector.broadcast %neg3A_149 : f32 to vector<16xf32>
      %neg3A_151 = arith.subf %neg3A_150, %get3A_142 : vector<16xf32>
      %exp3A_152 = math.exp %neg3A_151 : vector<16xf32>
      %add3A_153 = arith.constant 1.000000e+00 : f32
      %add3A_154 = vector.broadcast %add3A_153 : f32 to vector<16xf32>
      %add3A_155 = arith.addf %add3A_154, %exp3A_152 : vector<16xf32>
      %div3A_156 = arith.constant 1.000000e+00 : f32
      %div3A_157 = vector.broadcast %div3A_156 : f32 to vector<16xf32>
      %div3A_158 = arith.divf %div3A_157, %add3A_155 : vector<16xf32>
      %neg3A_159 = arith.constant 0.000000e+00 : f32
      %neg3A_160 = vector.broadcast %neg3A_159 : f32 to vector<16xf32>
      %neg3A_161 = arith.subf %neg3A_160, %get3A_148 : vector<16xf32>
      %exp3A_162 = math.exp %neg3A_161 : vector<16xf32>
      %add3A_163 = arith.constant 1.000000e+00 : f32
      %add3A_164 = vector.broadcast %add3A_163 : f32 to vector<16xf32>
      %add3A_165 = arith.addf %add3A_164, %exp3A_162 : vector<16xf32>
      %div3A_166 = arith.constant 1.000000e+00 : f32
      %div3A_167 = vector.broadcast %div3A_166 : f32 to vector<16xf32>
      %div3A_168 = arith.divf %div3A_167, %add3A_165 : vector<16xf32>
      %mul3A_169 = arith.constant -1.702000e+00 : f32
      %mul3A_170 = vector.broadcast %mul3A_169 : f32 to vector<16xf32>
      %mul3A_171 = arith.mulf %mul3A_170, %div3A_158 : vector<16xf32>
      %sub3A_172 = arith.subf %get3A_139, %get3A_145 : vector<16xf32>
      %mul3A_173 = arith.mulf %mul3A_171, %sub3A_172 : vector<16xf32>
      %exp3A_174 = math.exp %mul3A_173 : vector<16xf32>
      %add3A_175 = arith.constant 1.000000e+00 : f32
      %add3A_176 = vector.broadcast %add3A_175 : f32 to vector<16xf32>
      %add3A_177 = arith.addf %add3A_176, %exp3A_174 : vector<16xf32>
      %div3A_178 = arith.constant 1.000000e+00 : f32
      %div3A_179 = vector.broadcast %div3A_178 : f32 to vector<16xf32>
      %div3A_180 = arith.divf %div3A_179, %add3A_177 : vector<16xf32>
      %sub3A_181 = arith.constant 1.000000e+00 : f32
      %sub3A_182 = vector.broadcast %sub3A_181 : f32 to vector<16xf32>
      %sub3A_183 = arith.subf %sub3A_182, %div3A_168 : vector<16xf32>
      %mul3A_184 = arith.mulf %sub3A_183, %div3A_180 : vector<16xf32>
      %add3A_185 = arith.addf %div3A_168, %mul3A_184 : vector<16xf32>
      %swap3A_186 = arith.index_cast %mul3A_136 : i32 to index
      %swap3A_187 = tpu.vector_load %arg15[%swap3A_186] {strides = array<i32>} : memref<512xf32, #tpu.memory_space<vmem>>, vector<16xf32>,
      %swap3A_188 = vector.shape_cast %swap3A_187 : vector<16xf32> to vector<16xf32>
      %swap3A_189 = vector.shape_cast %add3A_185 : vector<16xf32> to vector<16xf32>
      tpu.vector_store %arg15[%swap3A_186], %swap3A_189 {strides = array<i32>} : memref<512xf32, #tpu.memory_space<vmem>>, vector<16xf32>,
      %scan3A_190 = arith.constant 0 : i32
      %scan3A_191 = arith.constant 3 : i32
      %scan3A_192 = arith.addi %scan3A_23, %scan3A_191 : i32
      %mul3A_193 = arith.constant 16 : i32
      %mul3A_194 = arith.muli %scan3A_192, %mul3A_193 : i32
      %get3A_195 = arith.index_cast %mul3A_194 : i32 to index
      %get3A_196 = tpu.vector_load %arg11[%get3A_195] {strides = array<i32>} : memref<512xf32, #tpu.memory_space<vmem>>, vector<16xf32>,
      %get3A_197 = vector.shape_cast %get3A_196 : vector<16xf32> to vector<16xf32>
      %get3A_198 = arith.index_cast %mul3A_194 : i32 to index
      %get3A_199 = tpu.vector_load %arg12[%get3A_198] {strides = array<i32>} : memref<512xf32, #tpu.memory_space<vmem>>, vector<16xf32>,
      %get3A_200 = vector.shape_cast %get3A_199 : vector<16xf32> to vector<16xf32>
      %get3A_201 = arith.index_cast %mul3A_194 : i32 to index
      %get3A_202 = tpu.vector_load %arg13[%get3A_201] {strides = array<i32>} : memref<512xf32, #tpu.memory_space<vmem>>, vector<16xf32>,
      %get3A_203 = vector.shape_cast %get3A_202 : vector<16xf32> to vector<16xf32>
      %get3A_204 = arith.index_cast %mul3A_194 : i32 to index
      %get3A_205 = tpu.vector_load %arg14[%get3A_204] {strides = array<i32>} : memref<512xf32, #tpu.memory_space<vmem>>, vector<16xf32>,
      %get3A_206 = vector.shape_cast %get3A_205 : vector<16xf32> to vector<16xf32>
      %neg3A_207 = arith.constant 0.000000e+00 : f32
      %neg3A_208 = vector.broadcast %neg3A_207 : f32 to vector<16xf32>
      %neg3A_209 = arith.subf %neg3A_208, %get3A_200 : vector<16xf32>
      %exp3A_210 = math.exp %neg3A_209 : vector<16xf32>
      %add3A_211 = arith.constant 1.000000e+00 : f32
      %add3A_212 = vector.broadcast %add3A_211 : f32 to vector<16xf32>
      %add3A_213 = arith.addf %add3A_212, %exp3A_210 : vector<16xf32>
      %div3A_214 = arith.constant 1.000000e+00 : f32
      %div3A_215 = vector.broadcast %div3A_214 : f32 to vector<16xf32>
      %div3A_216 = arith.divf %div3A_215, %add3A_213 : vector<16xf32>
      %neg3A_217 = arith.constant 0.000000e+00 : f32
      %neg3A_218 = vector.broadcast %neg3A_217 : f32 to vector<16xf32>
      %neg3A_219 = arith.subf %neg3A_218, %get3A_206 : vector<16xf32>
      %exp3A_220 = math.exp %neg3A_219 : vector<16xf32>
      %add3A_221 = arith.constant 1.000000e+00 : f32
      %add3A_222 = vector.broadcast %add3A_221 : f32 to vector<16xf32>
      %add3A_223 = arith.addf %add3A_222, %exp3A_220 : vector<16xf32>
      %div3A_224 = arith.constant 1.000000e+00 : f32
      %div3A_225 = vector.broadcast %div3A_224 : f32 to vector<16xf32>
      %div3A_226 = arith.divf %div3A_225, %add3A_223 : vector<16xf32>
      %mul3A_227 = arith.constant -1.702000e+00 : f32
      %mul3A_228 = vector.broadcast %mul3A_227 : f32 to vector<16xf32>
      %mul3A_229 = arith.mulf %mul3A_228, %div3A_216 : vector<16xf32>
      %sub3A_230 = arith.subf %get3A_197, %get3A_203 : vector<16xf32>
      %mul3A_231 = arith.mulf %mul3A_229, %sub3A_230 : vector<16xf32>
      %exp3A_232 = math.exp %mul3A_231 : vector<16xf32>
      %add3A_233 = arith.constant 1.000000e+00 : f32
      %add3A_234 = vector.broadcast %add3A_233 : f32 to vector<16xf32>
      %add3A_235 = arith.addf %add3A_234, %exp3A_232 : vector<16xf32>
      %div3A_236 = arith.constant 1.000000e+00 : f32
      %div3A_237 = vector.broadcast %div3A_236 : f32 to vector<16xf32>
      %div3A_238 = arith.divf %div3A_237, %add3A_235 : vector<16xf32>
      %sub3A_239 = arith.constant 1.000000e+00 : f32
      %sub3A_240 = vector.broadcast %sub3A_239 : f32 to vector<16xf32>
      %sub3A_241 = arith.subf %sub3A_240, %div3A_226 : vector<16xf32>
      %mul3A_242 = arith.mulf %sub3A_241, %div3A_238 : vector<16xf32>
      %add3A_243 = arith.addf %div3A_226, %mul3A_242 : vector<16xf32>
      %swap3A_244 = arith.index_cast %mul3A_194 : i32 to index
      %swap3A_245 = tpu.vector_load %arg15[%swap3A_244] {strides = array<i32>} : memref<512xf32, #tpu.memory_space<vmem>>, vector<16xf32>,
      %swap3A_246 = vector.shape_cast %swap3A_245 : vector<16xf32> to vector<16xf32>
      %swap3A_247 = vector.shape_cast %add3A_243 : vector<16xf32> to vector<16xf32>
      tpu.vector_store %arg15[%swap3A_244], %swap3A_247 {strides = array<i32>} : memref<512xf32, #tpu.memory_space<vmem>>, vector<16xf32>,
      %scan3A_248 = arith.constant 0 : i32
      scf.yield %scan3A_248 : i32
    }
    %scan3A_22 = arith.constant 32 : i32
    "tpu.region"() ({
      %run_scoped3A = tpu.sem_alloc : memref<!tpu.dma_semaphore, #tpu.memory_space<semaphore_mem>>
      %dma_start3A_23 = tpu.memref_slice %arg8[%mul3A_2] : memref<16384xf32, #tpu.memory_space<hbm>> -> memref<512xf32, #tpu.memory_space<hbm>>
      %dma_start3A_24 = tpu.memref_slice %arg8[%mul3A_2] : memref<16384xf32, #tpu.memory_space<hbm>> -> memref<512xf32, #tpu.memory_space<hbm>>
      tpu.enqueue_dma source(%arg15 : memref<512xf32, #tpu.memory_space<vmem>>) target(%dma_start3A_24 : memref<512xf32, #tpu.memory_space<hbm>>) target_semaphore(%run_scoped3A : memref<!tpu.dma_semaphore, #tpu.memory_space<semaphore_mem>>)
      %dma_wait3A_25 = tpu.memref_slice %arg8[%mul3A_2] : memref<16384xf32, #tpu.memory_space<hbm>> -> memref<512xf32, #tpu.memory_space<hbm>>
      %dma_wait3A_26 = tpu.memref_slice %arg8[%mul3A_2] : memref<16384xf32, #tpu.memory_space<hbm>> -> memref<512xf32, #tpu.memory_space<hbm>>
      tpu.wait_dma2 semaphore(%run_scoped3A : memref<!tpu.dma_semaphore, #tpu.memory_space<semaphore_mem>>) src(%arg15 : memref<512xf32, #tpu.memory_space<vmem>>) dst(%dma_wait3A_26 : memref<512xf32, #tpu.memory_space<hbm>>)
      tpu.yield
    }) : () -> ()
    return
  }
}

</mosaic_0001>

<sc_bundles>
// kernel: _irt_sc.3.cloned.1.call-start
scs
__scs_entry_jumppad:
0x0: {  	(pc) =	sbr.rel $0x88, $3  }
0x1: {  	(tag) =	ssettag $0x0;
	lr =	simm.s32 $0x1  }
0x2: {  	[smem:$0x3F9B] =	sst lr;
	_ =	strace $0xD0000000  }
0x3: {  	_ = 	snop  }
0x4: {  	_ = 	snop  }
0x5: {  	_ = 	snop  }
0x6: {  	_ = 	snop  }
0x7: {  	_ = 	snop  }
__scs_overlays_trampoline_lowered:
0x8: {  	[smem:$0x3FAA] =	sst s0  }
0x9: {  	[smem:$0x3FAB] =	sst s1  }
0xa: {  	[smem:$0x3FAC] =	sst s2  }
0xb: {  	[smem:$0x3FAD] =	sst s3  }
0xc: {  	[smem:$0x3FAE] =	sst s4  }
0xd: {  	[smem:$0x3FAF] =	sst s5  }
0xe: {  	[smem:$0x3FB0] =	sst s6  }
0xf: {  	[smem:$0x3FB1] =	sst s7  }
0x10: {  	[smem:$0x3FB2] =	sst s8  }
0x11: {  	[smem:$0x3FB3] =	sst s9;
	s0 =	simm.s32 @!p0 $0x0  }
0x12: {  	s1 =	sld [smem:$0x3F99];
	s0 =	simm.s32 @p0 $0x1  }
0x13: {  	[smem:$0x3FB4] =	sst s0;
	s0 =	simm.s32 @!p1 $0x0  }
0x14: {  	s2 =	sld [smem:$0x3F98];
	s0 =	simm.s32 @p1 $0x1  }
0x15: {  	[smem:$0x3FB5] =	sst s0;
	s0 =	simm.s32 @!p2 $0x0  }
0x16: {  	s3 =	sld [smem:$0x3FDB];
	s0 =	simm.s32 @p2 $0x1  }
0x17: {  	s4 =	simm.s32 $0x1BF5;
	[smem:$0x3FB7] =	sst s0  }
0x18: {  	s0 =	sld [smem:$0x3F9A];
	_ =	swait.ge [sflag:s4], $0x0  }
0x19: {  	s7 =	sld [smem:$0x3F9B]  }
0x1a: {  	s8 =	sadd.s32 $0xFFFFE003, lr  }
0x1b: {  	s9 =	sadd.s32 $0xFFFFFEF7, lr;
	s5 =	simm.s32 $0xFFFFFFFF;
	p2 =	slt.u32 s8, $0xFFFFF086  }
0x1c: {  	p1 =	slt.u32 s9, $0xF7A;
	s5 =	simm.s32 @!p2 $0x0  }
0x1d: {  	s5 =	simm.s32 @p1 $0x1;
	p0 =	seq.s32 s7, s2  }
0x1e: {  	s7 =	smul.u32 @!p0 $0xF7A, s2;
	p2 =	seq.s32 @!p0 s5, $0x0  }
0x1f: {  	s9 =	smul.u32 $0xF7A, s1;
	s8 =	simm.s32 @!p0 $0x1BF5;
	p2 =	por !p2, p0  }
0x20: {  	[sflag:s8] =	ssyncset.s32 @!p0 $0xFFFFF086;
	s6 =	sadd.s32 @!p0 s3, s7;
	s7 =	simm.s32 @!p0 $0x108  }
0x21: {  	s3 =	sadd.s32 s3, s9;
	s6 =	sadd.s32 @!p0 $0x88, s6;
	s7 =	simm.s32 @p2 $0x1082  }
0x22: {  	[simem:s7], [sflag:s8] =	dma.local @!p0 [hbm:s6], $0xF7A  }
0x23: {  	s9 =	sor.u32 $0xD0000000, s2;
	s6 =	simm.s32 $0x108;
	_ =	swait.ge @!p0 [sflag:s8], $0x0  }
0x24: {  	s3 =	sadd.s32 $0x88, s3;
	s6 =	simm.s32 @!p1 $0x1082;
	[sflag:s4] =	ssyncset.s32 $0xFFFFF086  }
0x25: {  	[simem:s6], [sflag:s4] =	dma.local [hbm:s3], $0xF7A  }
0x26: {  	[smem:$0x3F9B] =	sst s1;
	(tag) =	ssettag s2;
	_ =	strace s9  }
0x27: {  	s1 =	sld [smem:$0x3FAB]  }
0x28: {  	s2 =	sld [smem:$0x3FAC]  }
0x29: {  	s4 =	sld [smem:$0x3FAE]  }
0x2a: {  	p0 =	seq.s32 s5, $0x0;
	s5 =	sld [smem:$0x3FAF]  }
0x2b: {  	s6 =	sld [smem:$0x3FB0]  }
0x2c: {  	s7 =	sld [smem:$0x3FB1]  }
0x2d: {  	s3 =	simm.s32 $0x108;
	s8 =	sld [smem:$0x3FB2]  }
0x2e: {  	s3 =	simm.s32 @!p0 $0x1082;
	s9 =	sld [smem:$0x3FB3]  }
0x2f: {  	lr =	sadd.s32 s0, s3;
	s0 =	sld [smem:$0x3FAA]  }
0x30: {  	s3 =	sld [smem:$0x3FAD]  }
0x31: {  	[smem:$0x3FB6] =	sst s10  }
0x32: {  	s10 =	sld [smem:$0x3FB4];
	_ =	sdelay $0x3  }
0x33: {  	p0 =	seq.s32 s10, $0x1;
	s10 =	sld [smem:$0x3FB6];
	_ =	sdelay $0x3  }
0x34: {  	[smem:$0x3FB6] =	sst s10  }
0x35: {  	s10 =	sld [smem:$0x3FB5];
	_ =	sdelay $0x3  }
0x36: {  	p1 =	seq.s32 s10, $0x1;
	s10 =	sld [smem:$0x3FB6];
	_ =	sdelay $0x3  }
0x37: {  	[smem:$0x3FB6] =	sst s10  }
0x38: {  	s10 =	sld [smem:$0x3FB7]  }
0x39: {  	_ = 	snop;
	(pc) =	sbr.ind lr, $3  }
0x3a: {  	_ = 	snop  }
0x3b: {  	_ = 	snop  }
0x3c: {  	p2 =	seq.s32 s10, $0x1;
	s10 =	sld [smem:$0x3FB6]  }
0x3d: {  	_ =	shalt  }
0x3e: {  	_ =	shalt  }
0x3f: {  	_ =	shalt  }
0x40: {  	_ =	shalt  }
0x41: {  	_ =	shalt  }
0x42: {  	_ =	shalt  }
0x43: {  	_ =	shalt  }
0x44: {  	_ =	shalt  }
0x45: {  	_ =	shalt  }
0x46: {  	_ =	shalt  }
0x47: {  	_ =	shalt  }
0x48: {  	_ =	shalt  }
0x49: {  	_ =	shalt  }
0x4a: {  	_ =	shalt  }
0x4b: {  	_ =	shalt  }
0x4c: {  	_ =	shalt  }
0x4d: {  	_ =	shalt  }
0x4e: {  	_ =	shalt  }
0x4f: {  	_ =	shalt  }
0x50: {  	_ =	shalt  }
0x51: {  	_ =	shalt  }
0x52: {  	_ =	shalt  }
0x53: {  	_ =	shalt  }
0x54: {  	_ =	shalt  }
0x55: {  	_ =	shalt  }
0x56: {  	_ =	shalt  }
0x57: {  	_ =	shalt  }
0x58: {  	_ =	shalt  }
0x59: {  	_ =	shalt  }
0x5a: {  	_ =	shalt  }
0x5b: {  	_ =	shalt  }
0x5c: {  	_ =	shalt  }
0x5d: {  	_ =	shalt  }
0x5e: {  	_ =	shalt  }
0x5f: {  	_ =	shalt  }
0x60: {  	_ =	shalt  }
0x61: {  	_ =	shalt  }
0x62: {  	_ =	shalt  }
0x63: {  	_ =	shalt  }
0x64: {  	_ =	shalt  }
0x65: {  	_ =	shalt  }
0x66: {  	_ =	shalt  }
0x67: {  	_ =	shalt  }
0x68: {  	_ =	shalt  }
0x69: {  	_ =	shalt  }
0x6a: {  	_ =	shalt  }
0x6b: {  	_ =	shalt  }
0x6c: {  	_ =	shalt  }
0x6d: {  	_ =	shalt  }
0x6e: {  	_ =	shalt  }
0x6f: {  	_ =	shalt  }
0x70: {  	_ =	shalt  }
0x71: {  	_ =	shalt  }
0x72: {  	_ =	shalt  }
0x73: {  	_ =	shalt  }
0x74: {  	_ =	shalt  }
0x75: {  	_ =	shalt  }
0x76: {  	_ =	shalt  }
0x77: {  	_ =	shalt  }
0x78: {  	_ =	shalt  }
0x79: {  	_ =	shalt  }
0x7a: {  	_ =	shalt  }
0x7b: {  	_ =	shalt  }
0x7c: {  	_ =	shalt  }
0x7d: {  	_ =	shalt  }
0x7e: {  	_ =	shalt  }
0x7f: {  	_ =	shalt  }
0x80: {  	_ =	shalt  }
0x81: {  	_ =	shalt  }
0x82: {  	_ =	shalt  }
0x83: {  	_ =	shalt  }
0x84: {  	_ =	shalt  }
0x85: {  	_ =	shalt  }
0x86: {  	_ =	shalt  }
0x87: {  	_ =	shalt  }
.Lfunc_end0:
.L_simem_size_0:
called_computation_lowered:
.L_overlay_start_0:
0x88: {  	s2 =	sld [smem:$0x3FD9]  }
0x89: {  	s3 =	sld [smem:$0x3FFE];
	_ =	sdelay $0x1  }
0x8a: {  	s1 =	srdreg.scid  }
0x8b: {  	s0 =	sand.u32 $0x1, s1  }
0x8c: {  	s17 =	sshll.u32 s0, $0xA;
	s2 =	sadd.s32 s3, s2  }
0x8d: {  	s2 =	sadd.s32 s2, s17  }
0x8e: {  	[smem:$0x3FC2] =	sst s2  }
0x8f: {  	_ = 	snop  }
0x90: {  	s2 =	sld [smem:$0x3FC9]  }
0x91: {  	s18 =	sld [smem:$0x3FC8]  }
0x92: {  	s4 =	sld [smem:$0x3FD0];
	(tm) =	ssettm $0x1  }
0x93: {  	s5 =	sld [smem:$0x3FFB];
	_ =	sdelay $0x3  }
0x94: {  	_ =	strace s5  }
0x95: {  	s5 =	sld [smem:$0x3FFC];
	_ =	sdelay $0x3  }
0x96: {  	_ =	strace s5  }
0x97: {  	s5 =	sld [smem:$0x3FFD];
	_ =	sdelay $0x3  }
0x98: {  	_ =	strace s5  }
0x99: {  	_ =	strace $0x8FFFFFFF  }
0x9a: {  	s19 =	sld [smem:$0x3FDB];
	_ =	sdelay $0x1  }
0x9b: {  	s6 =	simm.s32 $_scs_section_size  }
0x9c: {  	s7 =	simm.s32 $_size__tile_overlayer_lowered;
	s8 =	simm.s32 $_tile_overlayer_lowered  }
0x9d: {  	s22 =	simm.s32 $0x1BFF;
	s21 =	sshll.u32 s8, $0x1;
	s5 =	sadd.s32 s6, s19  }
0x9e: {  	s9 =	simm.s32 $0x0;
	s20 =	sshll.u32 s7, $0x1;
	s7 =	sadd.s32 s21, s5  }
0x9f: {  	[timem:s9], [sflag:s22] =	dma.local [hbm:s7], s20  }
0xa0: {  	_ =	swait.ge [sflag:s22], s20  }
0xa1: {  	s6 =	ssub.s32 $0x0, s20;
	[sflag:s22] =	ssyncset.done $0x0  }
0xa2: {  	[sflag:s22] =	ssyncadd.s32 s6;
	_ =	sdelay $0x1  }
0xa3: {  	s23 =	simm.s32 $0x1B8B  }
0xa4: {  	_ =	swait.ge [sflag:s23], $0x1  }
0xa5: {  	[sflag:s23] =	ssyncset.done $0x0  }
0xa6: {  	s25 =	simm.s32 $0x1B8E;
	s24 =	sld [smem:$0x3FFE];
	[sflag:s23] =	ssyncadd.s32 $0xFFFFFFFF  }
0xa7: {  	s26 =	simm.s32 $execute0_lowered;
	[smem:$0x3FD2] =	sst s25  }
0xa8: {  	s7 =	sshll.u32 s26, $0x1;
	_ =	strace $0x80000046;
	[dreg:$0x1] =	wrdreg $0xFFFFFFFF  }
0xa9: {  	s28 =	simm.s32 $_size_execute0_lowered;
	s5 =	sadd.s32 s5, s7;
	[dreg:$0x0] =	wrdreg $0x0  }
0xaa: {  	s7 =	sshll.u32 s28, $0x1;
	[dreg:$0x2] =	wrdreg s5  }
0xab: {  	[dreg:$0x3] =	wrdreg s7  }
0xac: {  	[dreg:$0x4] =	wrdreg $0xC0  }
0xad: {  	_ =	task [dreg:s9], $0x5FFFF  }
0xae: {  	[dreg:$0x1] =	wrdreg $0xFFFFFFFF  }
0xaf: {  	[dreg:$0x0] =	wrdreg $0x60  }
0xb0: {  	[dreg:$0x2] =	wrdreg s2  }
0xb1: {  	[dreg:$0x3] =	wrdreg s18  }
0xb2: {  	[dreg:$0x4] =	wrdreg s24  }
0xb3: {  	[dreg:$0x5] =	wrdreg s4  }
0xb4: {  	[dreg:$0x6] =	wrdreg $0x9  }
0xb5: {  	_ =	task.clear_ibuf [dreg:s9], $0x7FFFF;
	_ =	strace $0x90000046  }
0xb6: {  	s29 =	simm.s32 $0x9;
	_ =	strace $0x80000048  }
0xb7: {  	_ =	swait.ge [sflag:s29], $0x1  }
0xb8: {  	[sflag:s29] =	ssyncadd.s32 $0xFFFFFFFF  }
0xb9: {  	_ =	strace $0x90000048  }
0xba: {  	_ =	sfence  }
0xbb: {  	s30 =	sld [smem:$0x0];
	_ =	sdelay $0x2  }
0xbc: {  	s31 =	sshll.u32 s1, $0xD;
	s1 =	sshrl.u32 s1, $0x2  }
0xbd: {  	s3 =	sand.u32 $0x4000, s31;
	s1 =	sadd.s32 s1, s30  }
0xbe: {  	s0 =	sor.u32 s3, s0;
	s1 =	sshll.u32 s1, $0x11  }
0xbf: {  	s0 =	sor.u32 s1, s0  }
0xc0: {  	s0 =	sadd.s32 $0x8F2B, s0  }
0xc1: {  	[sflag:s0] =	ssyncadd.remote.s32 $0x1  }
0xc2: {  	_ =	sfence.sel $0xFFFF  }
0xc3: {  	[dreg:$0x0] =	wrdreg $0xFFFFFFFF;
	(pc) =	sbr.abs _section_cstart, $3  }
0xc4: {  	[dreg:$0x1] =	wrdreg $0xFFFFFFFF  }
0xc5: {  	_ =	task.clear_ibuf [dreg:s9], $0x2FFFF;
	_ =	strace $0x9FFFFFFF  }
0xc6: {  	(tm) =	ssettm $0x7FFFFFFF  }
0xc7: {  	_ =	shalt  }
tec
execute0_lowered:
.L_overlay_start_1:
0x0: {  	(tag) =	ssettag $0x1  }
0x1: {  	s7 =	rddreg [dreg:$0x0]  }
0x2: {  	s8 =	rddreg [dreg:$0x1]  }
0x3: {  	s1 =	rddreg [dreg:$0x2]  }
0x4: {  	s9 =	rddreg [dreg:$0x3]  }
0x5: {  	s0 =	rddreg [dreg:$0x4];
	s2 =	simm.s32 $0x0  }
0x6: {  	s5 =	srdreg.scid;
	s3 =	stileid.u32;
	s13 =	simm.s32 $0x400  }
0x7: {  	s14 =	simm.s32 $0x600;
	s15 =	simm.s32 $0x800;
	s16 =	simm.s32 $0xA00  }
0x8: {  	s17 =	simm.s32 $0x1;
	s18 =	simm.s32 $0xC00;
	s19 =	simm.s32 $0x0  }
0x9: {  	[smem:$0x7FF] =	sst s2;
	s4 =	sadd.s32 $0x1EA00, s1;
	s5 =	sand.u32 $0x1, s5  }
0xa: {  	s6 =	sshll.u32 s3, $0x7;
	_ =	strace $0x80000047;
	s10 =	ssub.s32 $0x2, s5  }
0xb: {  	s11 =	sshll.u32 s5, $0x6;
	s5 =	sadd.s32 $0x5BE00, s1;
	s12 =	sshrl.u32 s10, $0x1  }
0xc: {  	s11 =	sor.u32 s11, s6;
	s6 =	sadd.s32 $0x3D400, s1;
	s10 =	ssub.s32 s10, s12  }
0xd: {  	s7 =	sadd.s32 s7, s11;
	s8 =	sadd.s32 s8, s11;
	s9 =	sadd.s32 s9, s11  }
0xe: {  	s11 =	simm.s32 $0x2;
	s12 =	simm.s32 $0x200;
	s10 =	smax.u32 s10, $0x1  }
.LBB2_1:
0xf: {  	[tilespmem:s2], [sflag:$0x2] =	stream.linear.gather [hbm4b:s7+s2], $0x200, $0x38;
	[tilespmem:$0xE00] =	vst v63  }
0x10: {  	_ =	swait.ge [sflag:s11], $0x200  }
0x11: {  	[sflag:s11] =	ssyncset.done $0x0  }
0x12: {  	[sflag:s11] =	ssyncadd.s32 $0xFFFFFE00  }
0x13: {  	[tilespmem:s12], [sflag:$0x2] =	stream.linear.gather [hbm4b:s8+s2], $0x200, $0x38;
	[tilespmem:$0xE00] =	vst v63  }
0x14: {  	_ =	swait.ge [sflag:s11], $0x200  }
0x15: {  	[sflag:s11] =	ssyncset.done $0x0  }
0x16: {  	[sflag:s11] =	ssyncadd.s32 $0xFFFFFE00  }
0x17: {  	[tilespmem:s13], [sflag:$0x1] =	stream.indirect.gather [hbm4b:s4+s12], $0x1, s2, s12, $0xb8;
	[tilespmem:$0xE00] =	vst v63  }
0x18: {  	_ = 	snop  }
0x19: {  	[tilespmem:s14], [sflag:$0x1] =	stream.indirect.gather [hbm4b:s1+s12], $0x1, s12, s12, $0xb8;
	[tilespmem:$0xE00] =	vst v63  }
0x1a: {  	_ = 	snop  }
0x1b: {  	[tilespmem:s15], [sflag:$0x1] =	stream.indirect.gather [hbm4b:s5+s12], $0x1, s12, s12, $0xb8;
	[tilespmem:$0xE00] =	vst v63  }
0x1c: {  	_ = 	snop  }
0x1d: {  	[tilespmem:s16], [sflag:$0x1] =	stream.indirect.gather [hbm4b:s6+s12], $0x1, s12, s12, $0xb8;
	[tilespmem:$0xE00] =	vst v63  }
0x1e: {  	_ =	swait.ge [sflag:s17], $0x200  }
0x1f: {  	[sflag:s17] =	ssyncset.done $0x0  }
0x20: {  	[sflag:s17] =	ssyncadd.s32 $0xFFFFFE00  }
0x21: {  	_ =	swait.ge [sflag:s17], $0x200  }
0x22: {  	[sflag:s17] =	ssyncset.done $0x0  }
0x23: {  	[sflag:s17] =	ssyncadd.s32 $0xFFFFFE00  }
0x24: {  	_ =	swait.ge [sflag:s17], $0x200  }
0x25: {  	[sflag:s17] =	ssyncset.done $0x0  }
0x26: {  	[sflag:s17] =	ssyncadd.s32 $0xFFFFFE00  }
0x27: {  	_ =	swait.ge [sflag:s17], $0x200  }
0x28: {  	[sflag:s17] =	ssyncset.done $0x0  }
0x29: {  	s24 =	simm.s32 $0x620;
	[sflag:s17] =	ssyncadd.s32 $0xFFFFFE00  }
0x2a: {  	v0 =	vld [tilespmem:s24+$0xFFFFFFE0];
	_ =	sdelay $0x4  }
0x2b: {  	v0 =	vsub.f32 $0.0e+00, v0;
	_ =	sdelay $0x1  }
0x2c: {  	v0 =	vmul.f32 $1.442695020e+00, v0;
	_ =	sdelay $0x1  }
0x2d: {  	(erf) = vpow2.f32 v0;
	_ =	sdelay $0x8  }
0x2e: {  	v0 =	vpop (erf)  }
0x2f: {  	v0 =	vadd.f32 $1.000000000e+00, v0;
	_ =	sdelay $0x1  }
0x30: {  	(erf) = vrcp.f32 v0;
	_ =	sdelay $0x1  }
0x31: {  	s20 =	simm.s32 $0x420  }
0x32: {  	s21 =	simm.s32 $0x820;
	v31 =	vld [tilespmem:s20+$0xFFFFFFE0]  }
0x33: {  	s22 =	simm.s32 $0xA20;
	v1 =	vld [tilespmem:s21+$0xFFFFFFE0]  }
0x34: {  	v2 =	vld [tilespmem:s22+$0xFFFFFFE0];
	_ =	sdelay $0x3  }
0x35: {  	v3 =	vpop (erf)  }
0x36: {  	v2 =	vsub.f32 $0.0e+00, v2;
	v0 =	vsub.f32 v31, v1;
	v3 =	vmul.f32 $-1.702000020e+00, v3;
	_ =	sdelay $0x1  }
0x37: {  	v32 =	vmul.f32 $1.442695020e+00, v2;
	v0 =	vmul.f32 v3, v0;
	_ =	sdelay $0x1  }
0x38: {  	(erf) = vpow2.f32 v32;
	v0 =	vmul.f32 $1.442695020e+00, v0;
	_ =	sdelay $0x1  }
0x39: {  	(erf) = vpow2.f32 v0;
	_ =	sdelay $0x6  }
0x3a: {  	v33 =	vpop (erf)  }
0x3b: {  	v0 =	vadd.f32 $1.000000000e+00, v33  }
0x3c: {  	v34 =	vpop (erf)  }
0x3d: {  	(erf) = vrcp.f32 v0;
	v1 =	vadd.f32 $1.000000000e+00, v34;
	_ =	sdelay $0x1  }
0x3e: {  	(erf) = vrcp.f32 v1;
	_ =	sdelay $0x6  }
0x3f: {  	v0 =	vpop (erf)  }
0x40: {  	v35 =	vsub.f32 $1.000000000e+00, v0  }
0x41: {  	v36 =	vpop (erf)  }
0x42: {  	v1 =	vmul.f32 v36, v35;
	_ =	sdelay $0x1  }
0x43: {  	v0 =	vadd.f32 v1, v0  }
0x44: {  	s23 =	simm.s32 $0xC20  }
0x45: {  	[tilespmem:s23+$0xFFFFFFE0] =	vst v0  }
0x46: {  	v0 =	vld [tilespmem:s24+$0xFFFFFFF0];
	_ =	sdelay $0x4  }
0x47: {  	v0 =	vsub.f32 $0.0e+00, v0;
	_ =	sdelay $0x1  }
0x48: {  	v0 =	vmul.f32 $1.442695020e+00, v0;
	_ =	sdelay $0x1  }
0x49: {  	(erf) = vpow2.f32 v0;
	_ =	sdelay $0x8  }
0x4a: {  	v0 =	vpop (erf)  }
0x4b: {  	v0 =	vadd.f32 $1.000000000e+00, v0;
	_ =	sdelay $0x1  }
0x4c: {  	(erf) = vrcp.f32 v0;
	_ =	sdelay $0x2  }
0x4d: {  	v37 =	vld [tilespmem:s20+$0xFFFFFFF0]  }
0x4e: {  	v38 =	vld [tilespmem:s21+$0xFFFFFFF0]  }
0x4f: {  	v39 =	vld [tilespmem:s22+$0xFFFFFFF0];
	_ =	sdelay $0x3  }
0x50: {  	v40 =	vpop (erf)  }
0x51: {  	v2 =	vsub.f32 $0.0e+00, v39;
	v0 =	vsub.f32 v37, v38;
	v3 =	vmul.f32 $-1.702000020e+00, v40;
	_ =	sdelay $0x1  }
0x52: {  	v41 =	vmul.f32 $1.442695020e+00, v2;
	v0 =	vmul.f32 v3, v0;
	_ =	sdelay $0x1  }
0x53: {  	(erf) = vpow2.f32 v41;
	v0 =	vmul.f32 $1.442695020e+00, v0;
	_ =	sdelay $0x1  }
0x54: {  	(erf) = vpow2.f32 v0;
	_ =	sdelay $0x6  }
0x55: {  	v42 =	vpop (erf)  }
0x56: {  	v0 =	vadd.f32 $1.000000000e+00, v42  }
0x57: {  	v43 =	vpop (erf)  }
0x58: {  	(erf) = vrcp.f32 v0;
	v1 =	vadd.f32 $1.000000000e+00, v43;
	_ =	sdelay $0x1  }
0x59: {  	(erf) = vrcp.f32 v1;
	_ =	sdelay $0x6  }
0x5a: {  	v0 =	vpop (erf)  }
0x5b: {  	v44 =	vsub.f32 $1.000000000e+00, v0  }
0x5c: {  	v45 =	vpop (erf)  }
0x5d: {  	v1 =	vmul.f32 v45, v44;
	_ =	sdelay $0x1  }
0x5e: {  	v0 =	vadd.f32 v1, v0;
	_ =	sdelay $0x1  }
0x5f: {  	[tilespmem:s23+$0xFFFFFFF0] =	vst v0  }
0x60: {  	v0 =	vld [tilespmem:s24+$0x0];
	_ =	sdelay $0x4  }
0x61: {  	v0 =	vsub.f32 $0.0e+00, v0;
	_ =	sdelay $0x1  }
0x62: {  	v0 =	vmul.f32 $1.442695020e+00, v0;
	_ =	sdelay $0x1  }
0x63: {  	(erf) = vpow2.f32 v0;
	_ =	sdelay $0x8  }
0x64: {  	v0 =	vpop (erf)  }
0x65: {  	v0 =	vadd.f32 $1.000000000e+00, v0;
	_ =	sdelay $0x1  }
0x66: {  	(erf) = vrcp.f32 v0;
	_ =	sdelay $0x2  }
0x67: {  	v46 =	vld [tilespmem:s20+$0x0]  }
0x68: {  	v47 =	vld [tilespmem:s21+$0x0]  }
0x69: {  	v48 =	vld [tilespmem:s22+$0x0];
	_ =	sdelay $0x3  }
0x6a: {  	v49 =	vpop (erf)  }
0x6b: {  	v2 =	vsub.f32 $0.0e+00, v48;
	v0 =	vsub.f32 v46, v47;
	v3 =	vmul.f32 $-1.702000020e+00, v49;
	_ =	sdelay $0x1  }
0x6c: {  	v50 =	vmul.f32 $1.442695020e+00, v2;
	v0 =	vmul.f32 v3, v0;
	_ =	sdelay $0x1  }
0x6d: {  	(erf) = vpow2.f32 v50;
	v0 =	vmul.f32 $1.442695020e+00, v0;
	_ =	sdelay $0x1  }
0x6e: {  	(erf) = vpow2.f32 v0;
	_ =	sdelay $0x6  }
0x6f: {  	v51 =	vpop (erf)  }
0x70: {  	v0 =	vadd.f32 $1.000000000e+00, v51  }
0x71: {  	v52 =	vpop (erf)  }
0x72: {  	(erf) = vrcp.f32 v0;
	v1 =	vadd.f32 $1.000000000e+00, v52;
	_ =	sdelay $0x1  }
0x73: {  	(erf) = vrcp.f32 v1;
	_ =	sdelay $0x6  }
0x74: {  	v0 =	vpop (erf)  }
0x75: {  	v53 =	vsub.f32 $1.000000000e+00, v0  }
0x76: {  	v54 =	vpop (erf)  }
0x77: {  	v1 =	vmul.f32 v54, v53;
	_ =	sdelay $0x1  }
0x78: {  	v0 =	vadd.f32 v1, v0;
	_ =	sdelay $0x1  }
0x79: {  	[tilespmem:s23+$0x0] =	vst v0  }
0x7a: {  	v0 =	vld [tilespmem:s24+$0x10];
	_ =	sdelay $0x4  }
0x7b: {  	v0 =	vsub.f32 $0.0e+00, v0;
	_ =	sdelay $0x1  }
0x7c: {  	v0 =	vmul.f32 $1.442695020e+00, v0;
	_ =	sdelay $0x1  }
0x7d: {  	(erf) = vpow2.f32 v0;
	_ =	sdelay $0x8  }
0x7e: {  	v0 =	vpop (erf)  }
0x7f: {  	v0 =	vadd.f32 $1.000000000e+00, v0;
	_ =	sdelay $0x1  }
0x80: {  	(erf) = vrcp.f32 v0;
	_ =	sdelay $0x2  }
0x81: {  	v55 =	vld [tilespmem:s21+$0x10]  }
0x82: {  	v56 =	vld [tilespmem:s20+$0x10]  }
0x83: {  	v57 =	vld [tilespmem:s22+$0x10];
	_ =	sdelay $0x3  }
0x84: {  	v58 =	vpop (erf)  }
0x85: {  	v2 =	vsub.f32 $0.0e+00, v57;
	v0 =	vsub.f32 v56, v55;
	v3 =	vmul.f32 $-1.702000020e+00, v58;
	_ =	sdelay $0x1  }
0x86: {  	v59 =	vmul.f32 $1.442695020e+00, v2;
	v0 =	vmul.f32 v3, v0;
	_ =	sdelay $0x1  }
0x87: {  	(erf) = vpow2.f32 v59;
	v0 =	vmul.f32 $1.442695020e+00, v0;
	_ =	sdelay $0x1  }
0x88: {  	(erf) = vpow2.f32 v0;
	_ =	sdelay $0x6  }
0x89: {  	v60 =	vpop (erf)  }
0x8a: {  	v0 =	vadd.f32 $1.000000000e+00, v60  }
0x8b: {  	v61 =	vpop (erf)  }
0x8c: {  	(erf) = vrcp.f32 v0;
	v1 =	vadd.f32 $1.000000000e+00, v61;
	_ =	sdelay $0x1  }
0x8d: {  	(erf) = vrcp.f32 v1;
	_ =	sdelay $0x6  }
0x8e: {  	v0 =	vpop (erf)  }
0x8f: {  	v62 =	vsub.f32 $1.000000000e+00, v0  }
0x90: {  	v63 =	vpop (erf)  }
0x91: {  	v1 =	vmul.f32 v63, v62;
	_ =	sdelay $0x1  }
0x92: {  	v0 =	vadd.f32 v1, v0;
	_ =	sdelay $0x1  }
0x93: {  	s25 =	simm.s32 $0x660;
	s24 =	simm.s32 $0x0;
	[tilespmem:s23+$0x10] =	vst v0  }
.LBB2_2:
0x94: {  	v0 =	vld [tilespmem:s25+$0xFFFFFFE0];
	s24 =	sadd.s32 $0x4, s24;
	s20 =	sadd.s32 $0x40, s20  }
0x95: {  	s21 =	sadd.s32 $0x40, s21;
	v1 =	vld [tilespmem:s20+$0xFFFFFFE0];
	p0 =	slt.u32 s24, $0x1C  }
0x96: {  	s22 =	sadd.s32 $0x40, s22;
	v2 =	vld [tilespmem:s21+$0xFFFFFFE0]  }
0x97: {  	v3 =	vld [tilespmem:s22+$0xFFFFFFE0];
	_ =	sdelay $0x1  }
0x98: {  	v0 =	vsub.f32 $0.0e+00, v0;
	_ =	sdelay $0x1  }
0x99: {  	v0 =	vmul.f32 $1.442695020e+00, v0;
	_ =	sdelay $0x1  }
0x9a: {  	(erf) = vpow2.f32 v0;
	_ =	sdelay $0x8  }
0x9b: {  	v0 =	vpop (erf)  }
0x9c: {  	v0 =	vadd.f32 $1.000000000e+00, v0;
	_ =	sdelay $0x1  }
0x9d: {  	(erf) = vrcp.f32 v0;
	_ =	sdelay $0x8  }
0x9e: {  	v0 =	vpop (erf)  }
0x9f: {  	v1 =	vsub.f32 v1, v2;
	v3 =	vsub.f32 $0.0e+00, v3;
	v0 =	vmul.f32 $-1.702000020e+00, v0;
	_ =	sdelay $0x1  }
0xa0: {  	v2 =	vmul.f32 $1.442695020e+00, v3;
	v0 =	vmul.f32 v0, v1;
	_ =	sdelay $0x1  }
0xa1: {  	v0 =	vmul.f32 $1.442695020e+00, v0;
	(erf) = vpow2.f32 v2;
	_ =	sdelay $0x1  }
0xa2: {  	(erf) = vpow2.f32 v0;
	_ =	sdelay $0x6  }
0xa3: {  	v0 =	vpop (erf)  }
0xa4: {  	v0 =	vadd.f32 $1.000000000e+00, v0  }
0xa5: {  	v1 =	vpop (erf)  }
0xa6: {  	v1 =	vadd.f32 $1.000000000e+00, v1;
	(erf) = vrcp.f32 v0;
	_ =	sdelay $0x1  }
0xa7: {  	(erf) = vrcp.f32 v1;
	_ =	sdelay $0x6  }
0xa8: {  	v0 =	vpop (erf)  }
0xa9: {  	v1 =	vsub.f32 $1.000000000e+00, v0  }
0xaa: {  	v2 =	vpop (erf)  }
0xab: {  	v1 =	vmul.f32 v2, v1;
	_ =	sdelay $0x1  }
0xac: {  	v0 =	vadd.f32 v1, v0  }
0xad: {  	s23 =	sadd.s32 $0x40, s23  }
0xae: {  	[tilespmem:s23+$0xFFFFFFE0] =	vst v0  }
0xaf: {  	v0 =	vld [tilespmem:s25+$0xFFFFFFF0];
	_ =	sdelay $0x4  }
0xb0: {  	v0 =	vsub.f32 $0.0e+00, v0;
	_ =	sdelay $0x1  }
0xb1: {  	v0 =	vmul.f32 $1.442695020e+00, v0;
	_ =	sdelay $0x1  }
0xb2: {  	(erf) = vpow2.f32 v0;
	_ =	sdelay $0x8  }
0xb3: {  	v0 =	vpop (erf)  }
0xb4: {  	v0 =	vadd.f32 $1.000000000e+00, v0;
	_ =	sdelay $0x1  }
0xb5: {  	(erf) = vrcp.f32 v0;
	_ =	sdelay $0x2  }
0xb6: {  	v0 =	vld [tilespmem:s20+$0xFFFFFFF0]  }
0xb7: {  	v1 =	vld [tilespmem:s21+$0xFFFFFFF0]  }
0xb8: {  	v2 =	vld [tilespmem:s22+$0xFFFFFFF0];
	_ =	sdelay $0x3  }
0xb9: {  	v3 =	vpop (erf)  }
0xba: {  	v0 =	vsub.f32 v0, v1;
	v2 =	vsub.f32 $0.0e+00, v2;
	v3 =	vmul.f32 $-1.702000020e+00, v3;
	_ =	sdelay $0x1  }
0xbb: {  	v1 =	vmul.f32 $1.442695020e+00, v2;
	v0 =	vmul.f32 v3, v0;
	_ =	sdelay $0x1  }
0xbc: {  	v0 =	vmul.f32 $1.442695020e+00, v0;
	(erf) = vpow2.f32 v1;
	_ =	sdelay $0x1  }
0xbd: {  	(erf) = vpow2.f32 v0;
	_ =	sdelay $0x6  }
0xbe: {  	v0 =	vpop (erf)  }
0xbf: {  	v0 =	vadd.f32 $1.000000000e+00, v0  }
0xc0: {  	v1 =	vpop (erf)  }
0xc1: {  	v1 =	vadd.f32 $1.000000000e+00, v1;
	(erf) = vrcp.f32 v0;
	_ =	sdelay $0x1  }
0xc2: {  	(erf) = vrcp.f32 v1;
	_ =	sdelay $0x6  }
0xc3: {  	v0 =	vpop (erf)  }
0xc4: {  	v1 =	vsub.f32 $1.000000000e+00, v0  }
0xc5: {  	v2 =	vpop (erf)  }
0xc6: {  	v1 =	vmul.f32 v2, v1;
	_ =	sdelay $0x1  }
0xc7: {  	v0 =	vadd.f32 v1, v0;
	_ =	sdelay $0x1  }
0xc8: {  	[tilespmem:s23+$0xFFFFFFF0] =	vst v0  }
0xc9: {  	v0 =	vld [tilespmem:s25+$0x0];
	_ =	sdelay $0x4  }
0xca: {  	v0 =	vsub.f32 $0.0e+00, v0;
	_ =	sdelay $0x1  }
0xcb: {  	v0 =	vmul.f32 $1.442695020e+00, v0;
	_ =	sdelay $0x1  }
0xcc: {  	(erf) = vpow2.f32 v0;
	_ =	sdelay $0x8  }
0xcd: {  	v0 =	vpop (erf)  }
0xce: {  	v0 =	vadd.f32 $1.000000000e+00, v0;
	_ =	sdelay $0x1  }
0xcf: {  	(erf) = vrcp.f32 v0;
	_ =	sdelay $0x2  }
0xd0: {  	v0 =	vld [tilespmem:s20+$0x0]  }
0xd1: {  	v1 =	vld [tilespmem:s21+$0x0]  }
0xd2: {  	v2 =	vld [tilespmem:s22+$0x0];
	_ =	sdelay $0x3  }
0xd3: {  	v3 =	vpop (erf)  }
0xd4: {  	v0 =	vsub.f32 v0, v1;
	v2 =	vsub.f32 $0.0e+00, v2;
	v3 =	vmul.f32 $-1.702000020e+00, v3;
	_ =	sdelay $0x1  }
0xd5: {  	v1 =	vmul.f32 $1.442695020e+00, v2;
	v0 =	vmul.f32 v3, v0;
	_ =	sdelay $0x1  }
0xd6: {  	v0 =	vmul.f32 $1.442695020e+00, v0;
	(erf) = vpow2.f32 v1;
	_ =	sdelay $0x1  }
0xd7: {  	(erf) = vpow2.f32 v0;
	_ =	sdelay $0x6  }
0xd8: {  	v0 =	vpop (erf)  }
0xd9: {  	v0 =	vadd.f32 $1.000000000e+00, v0  }
0xda: {  	v1 =	vpop (erf)  }
0xdb: {  	v1 =	vadd.f32 $1.000000000e+00, v1;
	(erf) = vrcp.f32 v0;
	_ =	sdelay $0x1  }
0xdc: {  	(erf) = vrcp.f32 v1;
	_ =	sdelay $0x6  }
0xdd: {  	v0 =	vpop (erf)  }
0xde: {  	v1 =	vsub.f32 $1.000000000e+00, v0  }
0xdf: {  	v2 =	vpop (erf)  }
0xe0: {  	v1 =	vmul.f32 v2, v1;
	_ =	sdelay $0x1  }
0xe1: {  	v0 =	vadd.f32 v1, v0;
	_ =	sdelay $0x1  }
0xe2: {  	[tilespmem:s23+$0x0] =	vst v0  }
0xe3: {  	v0 =	vld [tilespmem:s25+$0x10]  }
0xe4: {  	v1 =	vld [tilespmem:s21+$0x10]  }
0xe5: {  	v2 =	vld [tilespmem:s20+$0x10]  }
0xe6: {  	v3 =	vld [tilespmem:s22+$0x10];
	_ =	sdelay $0x1  }
0xe7: {  	v0 =	vsub.f32 $0.0e+00, v0;
	_ =	sdelay $0x1  }
0xe8: {  	v0 =	vmul.f32 $1.442695020e+00, v0;
	_ =	sdelay $0x1  }
0xe9: {  	(erf) = vpow2.f32 v0;
	_ =	sdelay $0x8  }
0xea: {  	v0 =	vpop (erf)  }
0xeb: {  	v0 =	vadd.f32 $1.000000000e+00, v0;
	_ =	sdelay $0x1  }
0xec: {  	(erf) = vrcp.f32 v0;
	_ =	sdelay $0x8  }
0xed: {  	v0 =	vpop (erf)  }
0xee: {  	v1 =	vsub.f32 v2, v1;
	v3 =	vsub.f32 $0.0e+00, v3;
	v0 =	vmul.f32 $-1.702000020e+00, v0;
	_ =	sdelay $0x1  }
0xef: {  	v2 =	vmul.f32 $1.442695020e+00, v3;
	v0 =	vmul.f32 v0, v1;
	_ =	sdelay $0x1  }
0xf0: {  	v0 =	vmul.f32 $1.442695020e+00, v0;
	(erf) = vpow2.f32 v2;
	_ =	sdelay $0x1  }
0xf1: {  	(erf) = vpow2.f32 v0;
	_ =	sdelay $0x6  }
0xf2: {  	v0 =	vpop (erf)  }
0xf3: {  	v0 =	vadd.f32 $1.000000000e+00, v0  }
0xf4: {  	v1 =	vpop (erf)  }
0xf5: {  	v1 =	vadd.f32 $1.000000000e+00, v1;
	(erf) = vrcp.f32 v0;
	_ =	sdelay $0x1  }
0xf6: {  	(erf) = vrcp.f32 v1;
	_ =	sdelay $0x6  }
0xf7: {  	v0 =	vpop (erf)  }
0xf8: {  	v1 =	vsub.f32 $1.000000000e+00, v0  }
0xf9: {  	v2 =	vpop (erf)  }
.Ltmp0:
0xfa: {  	v1 =	vmul.f32 v2, v1;
	(pc) =	sbr.rel @p0 .LBB2_2-.Ltmp0, $3  }
0xfb: {  	_ = 	snop  }
0xfc: {  	v0 =	vadd.f32 v1, v0;
	_ =	sdelay $0x1  }
0xfd: {  	s25 =	sadd.s32 $0x40, s25;
	[tilespmem:s23+$0x10] =	vst v0  }
0xfe: {  	s19 =	sadd.s32 $0x1, s19  }
0xff: {  	p0 =	sne.s32 s19, s10  }
.Ltmp1:
0x100: {  	_ = 	snop;
	(pc) =	sbr.rel @p0 .LBB2_1-.Ltmp1, $4  }
0x101: {  	[hbm4b:s9+s2] =	stream.linear.scatter [tilespmem:s18], [sflag:$0x2], $0x200, $0x38;
	[tilespmem:$0xE00] =	vst v63  }
0x102: {  	_ =	swait.ge [sflag:s11], $0x200  }
0x103: {  	[sflag:s11] =	ssyncset.done $0x0  }
0x104: {  	[sflag:s11] =	ssyncadd.s32 $0xFFFFFE00  }
0x105: {  	_ =	sfence.sel $0x180000  }
0x106: {  	[bflag:$0x0] =	sbarrier.arrive $0xFFFF  }
0x107: {  	p0 =	sne.s32 s3, $0x0;
	_ =	strace $0x90000047  }
0x108: {  	s0 =	sadd.s32 @!p0 $0x100000, s0;
	[bflag:$0x2] =	sbarrier.arrive $0xFFFF  }
0x109: {  	[sflag:s0] =	ssyncadd.tile.s32 @!p0 $0x1;
	_ =	shalt  }
.Lfunc_end2:
_tile_overlayer_lowered:
.L_overlay_start_2:
0x10a: {  	(tag) =	ssettag $0x2  }
0x10b: {  	s0 =	rddreg [dreg:$0x0];
	s2 =	stileid.u32  }
0x10c: {  	s1 =	rddreg [dreg:$0x1];
	p0 =	sne.s32 s2, $0x0  }
0x10d: {  	s3 =	rddreg [dreg:$0x2];
	[bflag:$0x3] =	sbarrier.arrive $0xFFFF;
	s2 =	simm.s32 @!p0 $0x1C02  }
0x10e: {  	[timem:s3], [sflag:s2] =	dma.local @!p0 [hbm:s0], s1  }
0x10f: {  	s0 =	simm.s32 @!p0 $0x2  }
0x110: {  	_ =	swait.ge @!p0 [sflag:s0], s1  }
0x111: {  	s1 =	ssub.s32 @!p0 $0x0, s1;
	[sflag:s0] =	ssyncset.done @!p0 $0x0  }
0x112: {  	[sflag:s0] =	ssyncadd.s32 @!p0 s1  }
0x113: {  	[bflag:$0x3] =	sbarrier.arrive $0xFFFF  }
0x114: {  	_ =	shalt  }

</sc_bundles>
